<compile_context>
chip_gen: v7x
topology: tpu7x:2x2x1
jax: 0.10.2.dev20260603
libtpu: 0.0.44.dev20260713+nightly
codegen_flags: <defaults>
</compile_context>

<pallas_src>
import jax
import jax.numpy as jnp
from jax import lax
from jax.experimental import pallas as pl
from jax.experimental.pallas import tpu as pltpu
from jax.experimental.pallas import tpu_sc as plsc

N_ATOMS = 100000
EMBED = 128
TABLE_ROWS = 120
CHUNK = 128
NUM_FULL = N_ATOMS // CHUNK
TAIL = N_ATOMS - NUM_FULL * CHUNK
TAIL_BASE = NUM_FULL * CHUNK
NC, NS = 2, 16
NW = NC * NS
BASE_K = NUM_FULL // NW
EXTRA_W = NUM_FULL - BASE_K * NW
PAIRS = BASE_K // 4


def _body(table_hbm, idx_hbm, out_hbm, table_sh, idx_l, rows_a, rows_b,
          gsem_a, gsem_b, ssem_a, ssem_b):
    w = lax.axis_index("s") * NC + lax.axis_index("c")

    @pl.when(lax.axis_index("s") == 0)
    def _():
        pltpu.sync_copy(table_hbm, table_sh)

    start = w * BASE_K + jnp.minimum(w, EXTRA_W)
    ibase = pl.multiple_of(start * CHUNK, CHUNK)
    pltpu.async_copy(idx_hbm.at[pl.ds(ibase, BASE_K * CHUNK)],
                     idx_l.at[pl.ds(0, BASE_K * CHUNK)], ssem_a)

    @pl.when(w < EXTRA_W)
    def _():
        pltpu.async_copy(idx_hbm.at[pl.ds(ibase + BASE_K * CHUNK, CHUNK)],
                         idx_l.at[pl.ds(BASE_K * CHUNK, CHUNK)], ssem_a)

    plsc.subcore_barrier()
    pltpu.make_async_copy(idx_hbm.at[pl.ds(ibase, BASE_K * CHUNK)],
                          idx_l.at[pl.ds(0, BASE_K * CHUNK)], ssem_a).wait()

    @pl.when(w < EXTRA_W)
    def _():
        pltpu.make_async_copy(
            idx_hbm.at[pl.ds(ibase + BASE_K * CHUNK, CHUNK)],
            idx_l.at[pl.ds(BASE_K * CHUNK, CHUNK)], ssem_a).wait()

    def gather(k, dst, gsem):
        pltpu.async_copy(table_sh.at[idx_l.at[pl.ds(k * CHUNK, CHUNK)]],
                         dst, gsem)

    def gwait(k, dst, gsem):
        pltpu.make_async_copy(table_sh.at[idx_l.at[pl.ds(k * CHUNK, CHUNK)]],
                              dst, gsem).wait()

    def store(k, rows, ssem):
        base = pl.multiple_of((start + k) * CHUNK, CHUNK)
        pltpu.async_copy(rows, out_hbm.at[pl.ds(base, 2 * CHUNK)], ssem)

    def sdrain(rows, ssem):
        pltpu.make_async_copy(
            rows, out_hbm.at[pl.ds(0, 2 * CHUNK)], ssem).wait()

    def gpair(q, rows, gsem):
        gather(q, rows.at[pl.ds(0, CHUNK)], gsem)
        gather(q + 1, rows.at[pl.ds(CHUNK, CHUNK)], gsem)

    def gpwait(q, rows, gsem):
        gwait(q, rows.at[pl.ds(0, CHUNK)], gsem)
        gwait(q + 1, rows.at[pl.ds(CHUNK, CHUNK)], gsem)

    gpair(0, rows_a, gsem_a)
    gpair(2, rows_b, gsem_b)

    def pair(j, carry):
        def phase(q, rows, gsem, ssem):
            gpwait(q, rows, gsem)
            store(q, rows, ssem)
            sdrain(rows, ssem)

            @pl.when(j < PAIRS - 1)
            def _():
                gpair(q + 4, rows, gsem)

        phase(4 * j, rows_a, gsem_a, ssem_a)
        phase(4 * j + 2, rows_b, gsem_b, ssem_b)
        return carry

    lax.fori_loop(0, PAIRS, pair, None)

    @pl.when(w < EXTRA_W)
    def _():
        gather(BASE_K, rows_a.at[pl.ds(0, CHUNK)], gsem_a)
        gwait(BASE_K, rows_a.at[pl.ds(0, CHUNK)], gsem_a)
        base = pl.multiple_of((start + BASE_K) * CHUNK, CHUNK)
        pltpu.sync_copy(rows_a.at[pl.ds(0, CHUNK)],
                        out_hbm.at[pl.ds(base, CHUNK)])

    @pl.when(w == NW - 1)
    def _():
        pltpu.sync_copy(idx_hbm.at[pl.ds(TAIL_BASE, TAIL)],
                        idx_l.at[pl.ds(0, TAIL)])
        pltpu.async_copy(table_sh.at[idx_l.at[pl.ds(0, TAIL)]],
                         rows_b.at[pl.ds(0, TAIL)], gsem_b).wait()
        pltpu.sync_copy(rows_b.at[pl.ds(0, TAIL)],
                        out_hbm.at[pl.ds(TAIL_BASE, TAIL)])


def kernel(atomic_numbers, embedding_table):
    k = pl.kernel(
        _body,
        out_type=jax.ShapeDtypeStruct((N_ATOMS, EMBED), jnp.float32),
        mesh=plsc.VectorSubcoreMesh(
            core_axis_name="c", subcore_axis_name="s",
            num_cores=NC, num_subcores=NS,
        ),
        scratch_types=[
            pltpu.VMEM_SHARED((TABLE_ROWS, EMBED), jnp.float32),
            pltpu.VMEM(((BASE_K + 1) * CHUNK,), jnp.int32),
            pltpu.VMEM((2 * CHUNK, EMBED), jnp.float32),
            pltpu.VMEM((2 * CHUNK, EMBED), jnp.float32),
            pltpu.SemaphoreType.DMA,
            pltpu.SemaphoreType.DMA,
            pltpu.SemaphoreType.DMA,
            pltpu.SemaphoreType.DMA,
        ],
    )
    return k(embedding_table, atomic_numbers.astype(jnp.int32))

# --- scband reference (transcript-rebuilt; emitter-appended) ---
"""Pipeline reference for scband-atom-embedding-11209864642666 (READ-ONLY COPY).

The authoritative reference and input builder live on the scoring server;
editing this copy changes nothing except your own understanding.
"""

import jax, jax.numpy as jnp
import numpy as np

EMBED_DIMS = 128
MAX_ATOMIC_NUMBER = 120
N_ATOMS = 100000

def setup_inputs(seed: int = 0) -> dict:
    key = jax.random.key(seed)
    k_idx, k_tab = jax.random.split(key)
    atomic_numbers = jax.random.randint(k_idx, (N_ATOMS,), 0, MAX_ATOMIC_NUMBER, dtype=jnp.int64 if jax.config.jax_enable_x64 else jnp.int32)
    # flax nn.Embed default init: variance_scaling(1.0, 'fan_in', 'normal', out_axis=0)
    stddev = 1.0 / np.sqrt(EMBED_DIMS)
    embedding_table = jax.random.normal(k_tab, (MAX_ATOMIC_NUMBER, EMBED_DIMS), dtype=jnp.float32) * stddev
    return {"atomic_numbers": atomic_numbers, "embedding_table": embedding_table}

def reference(atomic_numbers, embedding_table):
    # AtomEmbedding.__call__: nn.Embed(num_embeddings=max_atomic_number, features=embed_dims)(atomic_numbers)
    # e3nn.IrrepsArray('{embed_dims}x0e', ...) is a pure metadata wrapper around the array (scalar irreps);
    # the underlying numerical output is the gathered embedding table.
    atom_embeddings = jnp.take(embedding_table, atomic_numbers, axis=0)
    return atom_embeddings

if __name__ == "__main__":
    import jax
    _d = setup_inputs()
    print(jax.jit(kernel)(*tuple(_d.values())))

</pallas_src>

<mosaic_0001>
#map = affine_map<(d0, d1) -> (0, 0)>
#map1 = affine_map<(d0, d1) -> (0)>
module attributes {stable_mosaic.version = 14 : i64} {
  func.func @_body(%arg0: i32, %arg1: i32, %arg2: memref<120x128xf32, #tpu.memory_space<hbm>>, %arg3: memref<100000xi32, #tpu.memory_space<hbm>>, %arg4: memref<100000x128xf32, #tpu.memory_space<hbm>>, %arg5: memref<120x128xf32, #tpu.memory_space<vmem_shared>>, %arg6: memref<3200xi32, #tpu.memory_space<vmem>>, %arg7: memref<256x128xf32, #tpu.memory_space<vmem>>, %arg8: memref<256x128xf32, #tpu.memory_space<vmem>>, %arg9: memref<!tpu.dma_semaphore, #tpu.memory_space<semaphore_mem>>, %arg10: memref<!tpu.dma_semaphore, #tpu.memory_space<semaphore_mem>>, %arg11: memref<!tpu.dma_semaphore, #tpu.memory_space<semaphore_mem>>, %arg12: memref<!tpu.dma_semaphore, #tpu.memory_space<semaphore_mem>>) attributes {dimension_semantics = [#tpu.dimension_semantics<core_parallel>, #tpu.dimension_semantics<subcore_parallel>], iteration_bounds = array<i64: 2, 16>, scalar_prefetch = 0 : i64, scratch_operands = 8 : i64, tpu.core_type = #tpu.core_type<sc_vector_subcore>, window_params = [{transform_indices = #map}, {transform_indices = #map1}, {transform_indices = #map}]} {
    %mul3A = arith.constant 2 : i32
    %mul3A_0 = arith.muli %arg1, %mul3A : i32
    %add3A = arith.addi %mul3A_0, %arg0 : i32
    %eq3A = arith.constant 0 : i32
    %eq3A_1 = arith.cmpi eq, %arg1, %eq3A : i32
    %convert_element_type3A = arith.extui %eq3A_1 : i1 to i32
    %cond3A = arith.constant 0 : i32
    %cond3A_2 = arith.cmpi ne, %convert_element_type3A, %cond3A : i32
    scf.if %cond3A_2 {
      "tpu.region"() ({
        %run_scoped3A = tpu.sem_alloc : memref<!tpu.dma_semaphore, #tpu.memory_space<semaphore_mem>>
        tpu.enqueue_dma source(%arg2 : memref<120x128xf32, #tpu.memory_space<hbm>>) target(%arg5 : memref<120x128xf32, #tpu.memory_space<vmem_shared>>) target_semaphore(%run_scoped3A : memref<!tpu.dma_semaphore, #tpu.memory_space<semaphore_mem>>)
        tpu.wait_dma2 semaphore(%run_scoped3A : memref<!tpu.dma_semaphore, #tpu.memory_space<semaphore_mem>>) src(%arg2 : memref<120x128xf32, #tpu.memory_space<hbm>>) dst(%arg5 : memref<120x128xf32, #tpu.memory_space<vmem_shared>>)
        tpu.yield
      }) : () -> ()
    } else {
    }
    %mul3A_3 = arith.constant 24 : i32
    %mul3A_4 = arith.muli %add3A, %mul3A_3 : i32
    %min3A = arith.constant 13 : i32
    %min3A_5 = arith.minsi %add3A, %min3A : i32
    %add3A_6 = arith.addi %mul3A_4, %min3A_5 : i32
    %mul3A_7 = arith.constant 128 : i32
    %mul3A_8 = arith.muli %add3A_6, %mul3A_7 : i32
    %multiple_of3A = tpu.assume_multiple %mul3A_8, 128 : i32
    %dma_start3A = arith.constant 0 : i32
    %dma_start3A_9 = tpu.memref_slice %arg6[%dma_start3A] : memref<3200xi32, #tpu.memory_space<vmem>> -> memref<3072xi32, #tpu.memory_space<vmem>>
    %dma_start3A_10 = tpu.memref_slice %arg3[%multiple_of3A] : memref<100000xi32, #tpu.memory_space<hbm>> -> memref<3072xi32, #tpu.memory_space<hbm>>
    %dma_start3A_11 = arith.constant 0 : i32
    %dma_start3A_12 = tpu.memref_slice %arg6[%dma_start3A_11] : memref<3200xi32, #tpu.memory_space<vmem>> -> memref<3072xi32, #tpu.memory_space<vmem>>
    %dma_start3A_13 = tpu.memref_slice %arg3[%multiple_of3A] : memref<100000xi32, #tpu.memory_space<hbm>> -> memref<3072xi32, #tpu.memory_space<hbm>>
    tpu.enqueue_dma source(%dma_start3A_13 : memref<3072xi32, #tpu.memory_space<hbm>>) target(%dma_start3A_12 : memref<3072xi32, #tpu.memory_space<vmem>>) target_semaphore(%arg11 : memref<!tpu.dma_semaphore, #tpu.memory_space<semaphore_mem>>)
    %lt3A = arith.constant 13 : i32
    %lt3A_14 = arith.cmpi slt, %add3A, %lt3A : i32
    %convert_element_type3A_15 = arith.extui %lt3A_14 : i1 to i32
    %cond3A_16 = arith.constant 0 : i32
    %cond3A_17 = arith.cmpi ne, %convert_element_type3A_15, %cond3A_16 : i32
    scf.if %cond3A_17 {
      %add3A_74 = arith.constant 3072 : i32
      %add3A_75 = arith.addi %multiple_of3A, %add3A_74 : i32
      %dma_start3A_76 = arith.constant 3072 : i32
      %dma_start3A_77 = tpu.memref_slice %arg6[%dma_start3A_76] : memref<3200xi32, #tpu.memory_space<vmem>> -> memref<128xi32, #tpu.memory_space<vmem>>
      %dma_start3A_78 = tpu.memref_slice %arg3[%add3A_75] : memref<100000xi32, #tpu.memory_space<hbm>> -> memref<128xi32, #tpu.memory_space<hbm>>
      %dma_start3A_79 = arith.constant 3072 : i32
      %dma_start3A_80 = tpu.memref_slice %arg6[%dma_start3A_79] : memref<3200xi32, #tpu.memory_space<vmem>> -> memref<128xi32, #tpu.memory_space<vmem>>
      %dma_start3A_81 = tpu.memref_slice %arg3[%add3A_75] : memref<100000xi32, #tpu.memory_space<hbm>> -> memref<128xi32, #tpu.memory_space<hbm>>
      tpu.enqueue_dma source(%dma_start3A_81 : memref<128xi32, #tpu.memory_space<hbm>>) target(%dma_start3A_80 : memref<128xi32, #tpu.memory_space<vmem>>) target_semaphore(%arg11 : memref<!tpu.dma_semaphore, #tpu.memory_space<semaphore_mem>>)
    } else {
    }
    %barrier3A = arith.constant 0 : index
    tpu.barrier barrier_id(%barrier3A)
    %dma_wait3A = arith.constant 0 : i32
    %dma_wait3A_18 = tpu.memref_slice %arg6[%dma_wait3A] : memref<3200xi32, #tpu.memory_space<vmem>> -> memref<3072xi32, #tpu.memory_space<vmem>>
    %dma_wait3A_19 = tpu.memref_slice %arg3[%multiple_of3A] : memref<100000xi32, #tpu.memory_space<hbm>> -> memref<3072xi32, #tpu.memory_space<hbm>>
    %dma_wait3A_20 = arith.constant 0 : i32
    %dma_wait3A_21 = tpu.memref_slice %arg6[%dma_wait3A_20] : memref<3200xi32, #tpu.memory_space<vmem>> -> memref<3072xi32, #tpu.memory_space<vmem>>
    %dma_wait3A_22 = tpu.memref_slice %arg3[%multiple_of3A] : memref<100000xi32, #tpu.memory_space<hbm>> -> memref<3072xi32, #tpu.memory_space<hbm>>
    tpu.wait_dma2 semaphore(%arg11 : memref<!tpu.dma_semaphore, #tpu.memory_space<semaphore_mem>>) src(%dma_wait3A_22 : memref<3072xi32, #tpu.memory_space<hbm>>) dst(%dma_wait3A_21 : memref<3072xi32, #tpu.memory_space<vmem>>)
    %lt3A_23 = arith.constant 13 : i32
    %lt3A_24 = arith.cmpi slt, %add3A, %lt3A_23 : i32
    %convert_element_type3A_25 = arith.extui %lt3A_24 : i1 to i32
    %cond3A_26 = arith.constant 0 : i32
    %cond3A_27 = arith.cmpi ne, %convert_element_type3A_25, %cond3A_26 : i32
    scf.if %cond3A_27 {
      %add3A_74 = arith.constant 3072 : i32
      %add3A_75 = arith.addi %multiple_of3A, %add3A_74 : i32
      %dma_wait3A_76 = arith.constant 3072 : i32
      %dma_wait3A_77 = tpu.memref_slice %arg6[%dma_wait3A_76] : memref<3200xi32, #tpu.memory_space<vmem>> -> memref<128xi32, #tpu.memory_space<vmem>>
      %dma_wait3A_78 = tpu.memref_slice %arg3[%add3A_75] : memref<100000xi32, #tpu.memory_space<hbm>> -> memref<128xi32, #tpu.memory_space<hbm>>
      %dma_wait3A_79 = arith.constant 3072 : i32
      %dma_wait3A_80 = tpu.memref_slice %arg6[%dma_wait3A_79] : memref<3200xi32, #tpu.memory_space<vmem>> -> memref<128xi32, #tpu.memory_space<vmem>>
      %dma_wait3A_81 = tpu.memref_slice %arg3[%add3A_75] : memref<100000xi32, #tpu.memory_space<hbm>> -> memref<128xi32, #tpu.memory_space<hbm>>
      tpu.wait_dma2 semaphore(%arg11 : memref<!tpu.dma_semaphore, #tpu.memory_space<semaphore_mem>>) src(%dma_wait3A_81 : memref<128xi32, #tpu.memory_space<hbm>>) dst(%dma_wait3A_80 : memref<128xi32, #tpu.memory_space<vmem>>)
    } else {
    }
    %dma_start3A_28 = arith.constant 0 : i32
    %dma_start3A_29 = arith.constant 0 : i32
    %dma_start3A_30 = tpu.memref_slice %arg7[%dma_start3A_28, %dma_start3A_29] : memref<256x128xf32, #tpu.memory_space<vmem>> -> memref<128x128xf32, #tpu.memory_space<vmem>>
    %dma_start3A_31 = arith.constant 0 : i32
    %dma_start3A_32 = tpu.memref_slice %arg6[%dma_start3A_31] : memref<3200xi32, #tpu.memory_space<vmem>> -> memref<128xi32, #tpu.memory_space<vmem>>
    %dma_start3A_33 = arith.constant 0 : i32
    %dma_start3A_34 = arith.constant 0 : i32
    %dma_start3A_35 = tpu.memref_slice %arg5[%dma_start3A_33, %dma_start3A_34] : memref<120x128xf32, #tpu.memory_space<vmem_shared>> -> memref<120x128xf32, #tpu.memory_space<vmem_shared>>
    tpu.enqueue_indirect_dma source(%dma_start3A_35 : memref<120x128xf32, #tpu.memory_space<vmem_shared>>) target(%dma_start3A_30 : memref<128x128xf32, #tpu.memory_space<vmem>>) offsets(%dma_start3A_32 : memref<128xi32, #tpu.memory_space<vmem>>) semaphore(%arg9 : memref<!tpu.dma_semaphore, #tpu.memory_space<semaphore_mem>>)
    %dma_start3A_36 = arith.constant 128 : i32
    %dma_start3A_37 = arith.constant 0 : i32
    %dma_start3A_38 = tpu.memref_slice %arg7[%dma_start3A_36, %dma_start3A_37] : memref<256x128xf32, #tpu.memory_space<vmem>> -> memref<128x128xf32, #tpu.memory_space<vmem>>
    %dma_start3A_39 = arith.constant 128 : i32
    %dma_start3A_40 = tpu.memref_slice %arg6[%dma_start3A_39] : memref<3200xi32, #tpu.memory_space<vmem>> -> memref<128xi32, #tpu.memory_space<vmem>>
    %dma_start3A_41 = arith.constant 0 : i32
    %dma_start3A_42 = arith.constant 0 : i32
    %dma_start3A_43 = tpu.memref_slice %arg5[%dma_start3A_41, %dma_start3A_42] : memref<120x128xf32, #tpu.memory_space<vmem_shared>> -> memref<120x128xf32, #tpu.memory_space<vmem_shared>>
    tpu.enqueue_indirect_dma source(%dma_start3A_43 : memref<120x128xf32, #tpu.memory_space<vmem_shared>>) target(%dma_start3A_38 : memref<128x128xf32, #tpu.memory_space<vmem>>) offsets(%dma_start3A_40 : memref<128xi32, #tpu.memory_space<vmem>>) semaphore(%arg9 : memref<!tpu.dma_semaphore, #tpu.memory_space<semaphore_mem>>)
    %dma_start3A_44 = arith.constant 0 : i32
    %dma_start3A_45 = arith.constant 0 : i32
    %dma_start3A_46 = tpu.memref_slice %arg8[%dma_start3A_44, %dma_start3A_45] : memref<256x128xf32, #tpu.memory_space<vmem>> -> memref<128x128xf32, #tpu.memory_space<vmem>>
    %dma_start3A_47 = arith.constant 256 : i32
    %dma_start3A_48 = tpu.memref_slice %arg6[%dma_start3A_47] : memref<3200xi32, #tpu.memory_space<vmem>> -> memref<128xi32, #tpu.memory_space<vmem>>
    %dma_start3A_49 = arith.constant 0 : i32
    %dma_start3A_50 = arith.constant 0 : i32
    %dma_start3A_51 = tpu.memref_slice %arg5[%dma_start3A_49, %dma_start3A_50] : memref<120x128xf32, #tpu.memory_space<vmem_shared>> -> memref<120x128xf32, #tpu.memory_space<vmem_shared>>
    tpu.enqueue_indirect_dma source(%dma_start3A_51 : memref<120x128xf32, #tpu.memory_space<vmem_shared>>) target(%dma_start3A_46 : memref<128x128xf32, #tpu.memory_space<vmem>>) offsets(%dma_start3A_48 : memref<128xi32, #tpu.memory_space<vmem>>) semaphore(%arg10 : memref<!tpu.dma_semaphore, #tpu.memory_space<semaphore_mem>>)
    %dma_start3A_52 = arith.constant 128 : i32
    %dma_start3A_53 = arith.constant 0 : i32
    %dma_start3A_54 = tpu.memref_slice %arg8[%dma_start3A_52, %dma_start3A_53] : memref<256x128xf32, #tpu.memory_space<vmem>> -> memref<128x128xf32, #tpu.memory_space<vmem>>
    %dma_start3A_55 = arith.constant 384 : i32
    %dma_start3A_56 = tpu.memref_slice %arg6[%dma_start3A_55] : memref<3200xi32, #tpu.memory_space<vmem>> -> memref<128xi32, #tpu.memory_space<vmem>>
    %dma_start3A_57 = arith.constant 0 : i32
    %dma_start3A_58 = arith.constant 0 : i32
    %dma_start3A_59 = tpu.memref_slice %arg5[%dma_start3A_57, %dma_start3A_58] : memref<120x128xf32, #tpu.memory_space<vmem_shared>> -> memref<120x128xf32, #tpu.memory_space<vmem_shared>>
    tpu.enqueue_indirect_dma source(%dma_start3A_59 : memref<120x128xf32, #tpu.memory_space<vmem_shared>>) target(%dma_start3A_54 : memref<128x128xf32, #tpu.memory_space<vmem>>) offsets(%dma_start3A_56 : memref<128xi32, #tpu.memory_space<vmem>>) semaphore(%arg10 : memref<!tpu.dma_semaphore, #tpu.memory_space<semaphore_mem>>)
    %scan3A = arith.constant 0 : i32
    %scan3A_60 = arith.constant 6 : i32
    %scan3A_61 = arith.addi %scan3A, %scan3A_60 : i32
    %scan3A_62 = arith.constant 1 : i32
    scf.for %scan3A_74 = %scan3A to %scan3A_61 step %scan3A_62  : i32 {
      %mul3A_75 = arith.constant 4 : i32
      %mul3A_76 = arith.muli %mul3A_75, %scan3A_74 : i32
      %mul3A_77 = arith.constant 128 : i32
      %mul3A_78 = arith.muli %mul3A_76, %mul3A_77 : i32
      %dma_wait3A_79 = arith.constant 0 : i32
      %dma_wait3A_80 = arith.constant 0 : i32
      %dma_wait3A_81 = tpu.memref_slice %arg7[%dma_wait3A_79, %dma_wait3A_80] : memref<256x128xf32, #tpu.memory_space<vmem>> -> memref<128x128xf32, #tpu.memory_space<vmem>>
      %dma_wait3A_82 = tpu.memref_slice %arg6[%mul3A_78] : memref<3200xi32, #tpu.memory_space<vmem>> -> memref<128xi32, #tpu.memory_space<vmem>>
      %dma_wait3A_83 = arith.constant 0 : i32
      %dma_wait3A_84 = arith.constant 0 : i32
      %dma_wait3A_85 = tpu.memref_slice %arg5[%dma_wait3A_83, %dma_wait3A_84] : memref<120x128xf32, #tpu.memory_space<vmem_shared>> -> memref<120x128xf32, #tpu.memory_space<vmem_shared>>
      tpu.wait_indirect_dma semaphore(%arg9 : memref<!tpu.dma_semaphore, #tpu.memory_space<semaphore_mem>>) src(%dma_wait3A_85 : memref<120x128xf32, #tpu.memory_space<vmem_shared>>) dst(%dma_wait3A_81 : memref<128x128xf32, #tpu.memory_space<vmem>>)
      %add3A_86 = arith.constant 1 : i32
      %add3A_87 = arith.addi %mul3A_76, %add3A_86 : i32
      %mul3A_88 = arith.constant 128 : i32
      %mul3A_89 = arith.muli %add3A_87, %mul3A_88 : i32
      %dma_wait3A_90 = arith.constant 128 : i32
      %dma_wait3A_91 = arith.constant 0 : i32
      %dma_wait3A_92 = tpu.memref_slice %arg7[%dma_wait3A_90, %dma_wait3A_91] : memref<256x128xf32, #tpu.memory_space<vmem>> -> memref<128x128xf32, #tpu.memory_space<vmem>>
      %dma_wait3A_93 = tpu.memref_slice %arg6[%mul3A_89] : memref<3200xi32, #tpu.memory_space<vmem>> -> memref<128xi32, #tpu.memory_space<vmem>>
      %dma_wait3A_94 = arith.constant 0 : i32
      %dma_wait3A_95 = arith.constant 0 : i32
      %dma_wait3A_96 = tpu.memref_slice %arg5[%dma_wait3A_94, %dma_wait3A_95] : memref<120x128xf32, #tpu.memory_space<vmem_shared>> -> memref<120x128xf32, #tpu.memory_space<vmem_shared>>
      tpu.wait_indirect_dma semaphore(%arg9 : memref<!tpu.dma_semaphore, #tpu.memory_space<semaphore_mem>>) src(%dma_wait3A_96 : memref<120x128xf32, #tpu.memory_space<vmem_shared>>) dst(%dma_wait3A_92 : memref<128x128xf32, #tpu.memory_space<vmem>>)
      %add3A_97 = arith.addi %add3A_6, %mul3A_76 : i32
      %mul3A_98 = arith.constant 128 : i32
      %mul3A_99 = arith.muli %add3A_97, %mul3A_98 : i32
      %multiple_of3A_100 = tpu.assume_multiple %mul3A_99, 128 : i32
      %dma_start3A_101 = arith.constant 0 : i32
      %dma_start3A_102 = tpu.memref_slice %arg4[%multiple_of3A_100, %dma_start3A_101] : memref<100000x128xf32, #tpu.memory_space<hbm>> -> memref<256x128xf32, #tpu.memory_space<hbm>>
      %dma_start3A_103 = arith.constant 0 : i32
      %dma_start3A_104 = tpu.memref_slice %arg4[%multiple_of3A_100, %dma_start3A_103] : memref<100000x128xf32, #tpu.memory_space<hbm>> -> memref<256x128xf32, #tpu.memory_space<hbm>>
      tpu.enqueue_dma source(%arg7 : memref<256x128xf32, #tpu.memory_space<vmem>>) target(%dma_start3A_104 : memref<256x128xf32, #tpu.memory_space<hbm>>) target_semaphore(%arg11 : memref<!tpu.dma_semaphore, #tpu.memory_space<semaphore_mem>>)
      %dma_wait3A_105 = arith.constant 0 : i32
      %dma_wait3A_106 = arith.constant 0 : i32
      %dma_wait3A_107 = tpu.memref_slice %arg4[%dma_wait3A_105, %dma_wait3A_106] : memref<100000x128xf32, #tpu.memory_space<hbm>> -> memref<256x128xf32, #tpu.memory_space<hbm>>
      %dma_wait3A_108 = arith.constant 0 : i32
      %dma_wait3A_109 = arith.constant 0 : i32
      %dma_wait3A_110 = tpu.memref_slice %arg4[%dma_wait3A_108, %dma_wait3A_109] : memref<100000x128xf32, #tpu.memory_space<hbm>> -> memref<256x128xf32, #tpu.memory_space<hbm>>
      tpu.wait_dma2 semaphore(%arg11 : memref<!tpu.dma_semaphore, #tpu.memory_space<semaphore_mem>>) src(%arg7 : memref<256x128xf32, #tpu.memory_space<vmem>>) dst(%dma_wait3A_110 : memref<256x128xf32, #tpu.memory_space<hbm>>)
      %lt3A_111 = arith.constant 5 : i32
      %lt3A_112 = arith.cmpi slt, %scan3A_74, %lt3A_111 : i32
      %convert_element_type3A_113 = arith.extui %lt3A_112 : i1 to i32
      %cond3A_114 = arith.constant 0 : i32
      %cond3A_115 = arith.cmpi ne, %convert_element_type3A_113, %cond3A_114 : i32
      scf.if %cond3A_115 {
        %add3A_159 = arith.constant 4 : i32
        %add3A_160 = arith.addi %mul3A_76, %add3A_159 : i32
        %mul3A_161 = arith.constant 128 : i32
        %mul3A_162 = arith.muli %add3A_160, %mul3A_161 : i32
        %dma_start3A_163 = arith.constant 0 : i32
        %dma_start3A_164 = arith.constant 0 : i32
        %dma_start3A_165 = tpu.memref_slice %arg7[%dma_start3A_163, %dma_start3A_164] : memref<256x128xf32, #tpu.memory_space<vmem>> -> memref<128x128xf32, #tpu.memory_space<vmem>>
        %dma_start3A_166 = tpu.memref_slice %arg6[%mul3A_162] : memref<3200xi32, #tpu.memory_space<vmem>> -> memref<128xi32, #tpu.memory_space<vmem>>
        %dma_start3A_167 = arith.constant 0 : i32
        %dma_start3A_168 = arith.constant 0 : i32
        %dma_start3A_169 = tpu.memref_slice %arg5[%dma_start3A_167, %dma_start3A_168] : memref<120x128xf32, #tpu.memory_space<vmem_shared>> -> memref<120x128xf32, #tpu.memory_space<vmem_shared>>
        tpu.enqueue_indirect_dma source(%dma_start3A_169 : memref<120x128xf32, #tpu.memory_space<vmem_shared>>) target(%dma_start3A_165 : memref<128x128xf32, #tpu.memory_space<vmem>>) offsets(%dma_start3A_166 : memref<128xi32, #tpu.memory_space<vmem>>) semaphore(%arg9 : memref<!tpu.dma_semaphore, #tpu.memory_space<semaphore_mem>>)
        %add3A_170 = arith.constant 1 : i32
        %add3A_171 = arith.addi %add3A_160, %add3A_170 : i32
        %mul3A_172 = arith.constant 128 : i32
        %mul3A_173 = arith.muli %add3A_171, %mul3A_172 : i32
        %dma_start3A_174 = arith.constant 128 : i32
        %dma_start3A_175 = arith.constant 0 : i32
        %dma_start3A_176 = tpu.memref_slice %arg7[%dma_start3A_174, %dma_start3A_175] : memref<256x128xf32, #tpu.memory_space<vmem>> -> memref<128x128xf32, #tpu.memory_space<vmem>>
        %dma_start3A_177 = tpu.memref_slice %arg6[%mul3A_173] : memref<3200xi32, #tpu.memory_space<vmem>> -> memref<128xi32, #tpu.memory_space<vmem>>
        %dma_start3A_178 = arith.constant 0 : i32
        %dma_start3A_179 = arith.constant 0 : i32
        %dma_start3A_180 = tpu.memref_slice %arg5[%dma_start3A_178, %dma_start3A_179] : memref<120x128xf32, #tpu.memory_space<vmem_shared>> -> memref<120x128xf32, #tpu.memory_space<vmem_shared>>
        tpu.enqueue_indirect_dma source(%dma_start3A_180 : memref<120x128xf32, #tpu.memory_space<vmem_shared>>) target(%dma_start3A_176 : memref<128x128xf32, #tpu.memory_space<vmem>>) offsets(%dma_start3A_177 : memref<128xi32, #tpu.memory_space<vmem>>) semaphore(%arg9 : memref<!tpu.dma_semaphore, #tpu.memory_space<semaphore_mem>>)
      } else {
      }
      %mul3A_116 = arith.constant 4 : i32
      %mul3A_117 = arith.muli %mul3A_116, %scan3A_74 : i32
      %add3A_118 = arith.constant 2 : i32
      %add3A_119 = arith.addi %mul3A_117, %add3A_118 : i32
      %mul3A_120 = arith.constant 128 : i32
      %mul3A_121 = arith.muli %add3A_119, %mul3A_120 : i32
      %dma_wait3A_122 = arith.constant 0 : i32
      %dma_wait3A_123 = arith.constant 0 : i32
      %dma_wait3A_124 = tpu.memref_slice %arg8[%dma_wait3A_122, %dma_wait3A_123] : memref<256x128xf32, #tpu.memory_space<vmem>> -> memref<128x128xf32, #tpu.memory_space<vmem>>
      %dma_wait3A_125 = tpu.memref_slice %arg6[%mul3A_121] : memref<3200xi32, #tpu.memory_space<vmem>> -> memref<128xi32, #tpu.memory_space<vmem>>
      %dma_wait3A_126 = arith.constant 0 : i32
      %dma_wait3A_127 = arith.constant 0 : i32
      %dma_wait3A_128 = tpu.memref_slice %arg5[%dma_wait3A_126, %dma_wait3A_127] : memref<120x128xf32, #tpu.memory_space<vmem_shared>> -> memref<120x128xf32, #tpu.memory_space<vmem_shared>>
      tpu.wait_indirect_dma semaphore(%arg10 : memref<!tpu.dma_semaphore, #tpu.memory_space<semaphore_mem>>) src(%dma_wait3A_128 : memref<120x128xf32, #tpu.memory_space<vmem_shared>>) dst(%dma_wait3A_124 : memref<128x128xf32, #tpu.memory_space<vmem>>)
      %add3A_129 = arith.constant 1 : i32
      %add3A_130 = arith.addi %add3A_119, %add3A_129 : i32
      %mul3A_131 = arith.constant 128 : i32
      %mul3A_132 = arith.muli %add3A_130, %mul3A_131 : i32
      %dma_wait3A_133 = arith.constant 128 : i32
      %dma_wait3A_134 = arith.constant 0 : i32
      %dma_wait3A_135 = tpu.memref_slice %arg8[%dma_wait3A_133, %dma_wait3A_134] : memref<256x128xf32, #tpu.memory_space<vmem>> -> memref<128x128xf32, #tpu.memory_space<vmem>>
      %dma_wait3A_136 = tpu.memref_slice %arg6[%mul3A_132] : memref<3200xi32, #tpu.memory_space<vmem>> -> memref<128xi32, #tpu.memory_space<vmem>>
      %dma_wait3A_137 = arith.constant 0 : i32
      %dma_wait3A_138 = arith.constant 0 : i32
      %dma_wait3A_139 = tpu.memref_slice %arg5[%dma_wait3A_137, %dma_wait3A_138] : memref<120x128xf32, #tpu.memory_space<vmem_shared>> -> memref<120x128xf32, #tpu.memory_space<vmem_shared>>
      tpu.wait_indirect_dma semaphore(%arg10 : memref<!tpu.dma_semaphore, #tpu.memory_space<semaphore_mem>>) src(%dma_wait3A_139 : memref<120x128xf32, #tpu.memory_space<vmem_shared>>) dst(%dma_wait3A_135 : memref<128x128xf32, #tpu.memory_space<vmem>>)
      %add3A_140 = arith.addi %add3A_6, %add3A_119 : i32
      %mul3A_141 = arith.constant 128 : i32
      %mul3A_142 = arith.muli %add3A_140, %mul3A_141 : i32
      %multiple_of3A_143 = tpu.assume_multiple %mul3A_142, 128 : i32
      %dma_start3A_144 = arith.constant 0 : i32
      %dma_start3A_145 = tpu.memref_slice %arg4[%multiple_of3A_143, %dma_start3A_144] : memref<100000x128xf32, #tpu.memory_space<hbm>> -> memref<256x128xf32, #tpu.memory_space<hbm>>
      %dma_start3A_146 = arith.constant 0 : i32
      %dma_start3A_147 = tpu.memref_slice %arg4[%multiple_of3A_143, %dma_start3A_146] : memref<100000x128xf32, #tpu.memory_space<hbm>> -> memref<256x128xf32, #tpu.memory_space<hbm>>
      tpu.enqueue_dma source(%arg8 : memref<256x128xf32, #tpu.memory_space<vmem>>) target(%dma_start3A_147 : memref<256x128xf32, #tpu.memory_space<hbm>>) target_semaphore(%arg12 : memref<!tpu.dma_semaphore, #tpu.memory_space<semaphore_mem>>)
      %dma_wait3A_148 = arith.constant 0 : i32
      %dma_wait3A_149 = arith.constant 0 : i32
      %dma_wait3A_150 = tpu.memref_slice %arg4[%dma_wait3A_148, %dma_wait3A_149] : memref<100000x128xf32, #tpu.memory_space<hbm>> -> memref<256x128xf32, #tpu.memory_space<hbm>>
      %dma_wait3A_151 = arith.constant 0 : i32
      %dma_wait3A_152 = arith.constant 0 : i32
      %dma_wait3A_153 = tpu.memref_slice %arg4[%dma_wait3A_151, %dma_wait3A_152] : memref<100000x128xf32, #tpu.memory_space<hbm>> -> memref<256x128xf32, #tpu.memory_space<hbm>>
      tpu.wait_dma2 semaphore(%arg12 : memref<!tpu.dma_semaphore, #tpu.memory_space<semaphore_mem>>) src(%arg8 : memref<256x128xf32, #tpu.memory_space<vmem>>) dst(%dma_wait3A_153 : memref<256x128xf32, #tpu.memory_space<hbm>>)
      %lt3A_154 = arith.constant 5 : i32
      %lt3A_155 = arith.cmpi slt, %scan3A_74, %lt3A_154 : i32
      %convert_element_type3A_156 = arith.extui %lt3A_155 : i1 to i32
      %cond3A_157 = arith.constant 0 : i32
      %cond3A_158 = arith.cmpi ne, %convert_element_type3A_156, %cond3A_157 : i32
      scf.if %cond3A_158 {
        %add3A_159 = arith.constant 4 : i32
        %add3A_160 = arith.addi %add3A_119, %add3A_159 : i32
        %mul3A_161 = arith.constant 128 : i32
        %mul3A_162 = arith.muli %add3A_160, %mul3A_161 : i32
        %dma_start3A_163 = arith.constant 0 : i32
        %dma_start3A_164 = arith.constant 0 : i32
        %dma_start3A_165 = tpu.memref_slice %arg8[%dma_start3A_163, %dma_start3A_164] : memref<256x128xf32, #tpu.memory_space<vmem>> -> memref<128x128xf32, #tpu.memory_space<vmem>>
        %dma_start3A_166 = tpu.memref_slice %arg6[%mul3A_162] : memref<3200xi32, #tpu.memory_space<vmem>> -> memref<128xi32, #tpu.memory_space<vmem>>
        %dma_start3A_167 = arith.constant 0 : i32
        %dma_start3A_168 = arith.constant 0 : i32
        %dma_start3A_169 = tpu.memref_slice %arg5[%dma_start3A_167, %dma_start3A_168] : memref<120x128xf32, #tpu.memory_space<vmem_shared>> -> memref<120x128xf32, #tpu.memory_space<vmem_shared>>
        tpu.enqueue_indirect_dma source(%dma_start3A_169 : memref<120x128xf32, #tpu.memory_space<vmem_shared>>) target(%dma_start3A_165 : memref<128x128xf32, #tpu.memory_space<vmem>>) offsets(%dma_start3A_166 : memref<128xi32, #tpu.memory_space<vmem>>) semaphore(%arg10 : memref<!tpu.dma_semaphore, #tpu.memory_space<semaphore_mem>>)
        %add3A_170 = arith.constant 1 : i32
        %add3A_171 = arith.addi %add3A_160, %add3A_170 : i32
        %mul3A_172 = arith.constant 128 : i32
        %mul3A_173 = arith.muli %add3A_171, %mul3A_172 : i32
        %dma_start3A_174 = arith.constant 128 : i32
        %dma_start3A_175 = arith.constant 0 : i32
        %dma_start3A_176 = tpu.memref_slice %arg8[%dma_start3A_174, %dma_start3A_175] : memref<256x128xf32, #tpu.memory_space<vmem>> -> memref<128x128xf32, #tpu.memory_space<vmem>>
        %dma_start3A_177 = tpu.memref_slice %arg6[%mul3A_173] : memref<3200xi32, #tpu.memory_space<vmem>> -> memref<128xi32, #tpu.memory_space<vmem>>
        %dma_start3A_178 = arith.constant 0 : i32
        %dma_start3A_179 = arith.constant 0 : i32
        %dma_start3A_180 = tpu.memref_slice %arg5[%dma_start3A_178, %dma_start3A_179] : memref<120x128xf32, #tpu.memory_space<vmem_shared>> -> memref<120x128xf32, #tpu.memory_space<vmem_shared>>
        tpu.enqueue_indirect_dma source(%dma_start3A_180 : memref<120x128xf32, #tpu.memory_space<vmem_shared>>) target(%dma_start3A_176 : memref<128x128xf32, #tpu.memory_space<vmem>>) offsets(%dma_start3A_177 : memref<128xi32, #tpu.memory_space<vmem>>) semaphore(%arg10 : memref<!tpu.dma_semaphore, #tpu.memory_space<semaphore_mem>>)
      } else {
      }
    }
    %scan3A_63 = arith.constant 6 : i32
    %lt3A_64 = arith.constant 13 : i32
    %lt3A_65 = arith.cmpi slt, %add3A, %lt3A_64 : i32
    %convert_element_type3A_66 = arith.extui %lt3A_65 : i1 to i32
    %cond3A_67 = arith.constant 0 : i32
    %cond3A_68 = arith.cmpi ne, %convert_element_type3A_66, %cond3A_67 : i32
    scf.if %cond3A_68 {
      %dma_start3A_74 = arith.constant 0 : i32
      %dma_start3A_75 = arith.constant 0 : i32
      %dma_start3A_76 = tpu.memref_slice %arg7[%dma_start3A_74, %dma_start3A_75] : memref<256x128xf32, #tpu.memory_space<vmem>> -> memref<128x128xf32, #tpu.memory_space<vmem>>
      %dma_start3A_77 = arith.constant 3072 : i32
      %dma_start3A_78 = tpu.memref_slice %arg6[%dma_start3A_77] : memref<3200xi32, #tpu.memory_space<vmem>> -> memref<128xi32, #tpu.memory_space<vmem>>
      %dma_start3A_79 = arith.constant 0 : i32
      %dma_start3A_80 = arith.constant 0 : i32
      %dma_start3A_81 = tpu.memref_slice %arg5[%dma_start3A_79, %dma_start3A_80] : memref<120x128xf32, #tpu.memory_space<vmem_shared>> -> memref<120x128xf32, #tpu.memory_space<vmem_shared>>
      tpu.enqueue_indirect_dma source(%dma_start3A_81 : memref<120x128xf32, #tpu.memory_space<vmem_shared>>) target(%dma_start3A_76 : memref<128x128xf32, #tpu.memory_space<vmem>>) offsets(%dma_start3A_78 : memref<128xi32, #tpu.memory_space<vmem>>) semaphore(%arg9 : memref<!tpu.dma_semaphore, #tpu.memory_space<semaphore_mem>>)
      %dma_wait3A_82 = arith.constant 0 : i32
      %dma_wait3A_83 = arith.constant 0 : i32
      %dma_wait3A_84 = tpu.memref_slice %arg7[%dma_wait3A_82, %dma_wait3A_83] : memref<256x128xf32, #tpu.memory_space<vmem>> -> memref<128x128xf32, #tpu.memory_space<vmem>>
      %dma_wait3A_85 = arith.constant 3072 : i32
      %dma_wait3A_86 = tpu.memref_slice %arg6[%dma_wait3A_85] : memref<3200xi32, #tpu.memory_space<vmem>> -> memref<128xi32, #tpu.memory_space<vmem>>
      %dma_wait3A_87 = arith.constant 0 : i32
      %dma_wait3A_88 = arith.constant 0 : i32
      %dma_wait3A_89 = tpu.memref_slice %arg5[%dma_wait3A_87, %dma_wait3A_88] : memref<120x128xf32, #tpu.memory_space<vmem_shared>> -> memref<120x128xf32, #tpu.memory_space<vmem_shared>>
      tpu.wait_indirect_dma semaphore(%arg9 : memref<!tpu.dma_semaphore, #tpu.memory_space<semaphore_mem>>) src(%dma_wait3A_89 : memref<120x128xf32, #tpu.memory_space<vmem_shared>>) dst(%dma_wait3A_84 : memref<128x128xf32, #tpu.memory_space<vmem>>)
      %add3A_90 = arith.constant 24 : i32
      %add3A_91 = arith.addi %add3A_6, %add3A_90 : i32
      %mul3A_92 = arith.constant 128 : i32
      %mul3A_93 = arith.muli %add3A_91, %mul3A_92 : i32
      %multiple_of3A_94 = tpu.assume_multiple %mul3A_93, 128 : i32
      "tpu.region"() ({
        %run_scoped3A = tpu.sem_alloc : memref<!tpu.dma_semaphore, #tpu.memory_space<semaphore_mem>>
        %dma_start3A_95 = arith.constant 0 : i32
        %dma_start3A_96 = arith.constant 0 : i32
        %dma_start3A_97 = tpu.memref_slice %arg7[%dma_start3A_95, %dma_start3A_96] : memref<256x128xf32, #tpu.memory_space<vmem>> -> memref<128x128xf32, #tpu.memory_space<vmem>>
        %dma_start3A_98 = arith.constant 0 : i32
        %dma_start3A_99 = tpu.memref_slice %arg4[%multiple_of3A_94, %dma_start3A_98] : memref<100000x128xf32, #tpu.memory_space<hbm>> -> memref<128x128xf32, #tpu.memory_space<hbm>>
        %dma_start3A_100 = arith.constant 0 : i32
        %dma_start3A_101 = tpu.memref_slice %arg4[%multiple_of3A_94, %dma_start3A_100] : memref<100000x128xf32, #tpu.memory_space<hbm>> -> memref<128x128xf32, #tpu.memory_space<hbm>>
        %dma_start3A_102 = arith.constant 0 : i32
        %dma_start3A_103 = arith.constant 0 : i32
        %dma_start3A_104 = tpu.memref_slice %arg7[%dma_start3A_102, %dma_start3A_103] : memref<256x128xf32, #tpu.memory_space<vmem>> -> memref<128x128xf32, #tpu.memory_space<vmem>>
        tpu.enqueue_dma source(%dma_start3A_104 : memref<128x128xf32, #tpu.memory_space<vmem>>) target(%dma_start3A_101 : memref<128x128xf32, #tpu.memory_space<hbm>>) target_semaphore(%run_scoped3A : memref<!tpu.dma_semaphore, #tpu.memory_space<semaphore_mem>>)
        %dma_wait3A_105 = arith.constant 0 : i32
        %dma_wait3A_106 = arith.constant 0 : i32
        %dma_wait3A_107 = tpu.memref_slice %arg7[%dma_wait3A_105, %dma_wait3A_106] : memref<256x128xf32, #tpu.memory_space<vmem>> -> memref<128x128xf32, #tpu.memory_space<vmem>>
        %dma_wait3A_108 = arith.constant 0 : i32
        %dma_wait3A_109 = tpu.memref_slice %arg4[%multiple_of3A_94, %dma_wait3A_108] : memref<100000x128xf32, #tpu.memory_space<hbm>> -> memref<128x128xf32, #tpu.memory_space<hbm>>
        %dma_wait3A_110 = arith.constant 0 : i32
        %dma_wait3A_111 = tpu.memref_slice %arg4[%multiple_of3A_94, %dma_wait3A_110] : memref<100000x128xf32, #tpu.memory_space<hbm>> -> memref<128x128xf32, #tpu.memory_space<hbm>>
        %dma_wait3A_112 = arith.constant 0 : i32
        %dma_wait3A_113 = arith.constant 0 : i32
        %dma_wait3A_114 = tpu.memref_slice %arg7[%dma_wait3A_112, %dma_wait3A_113] : memref<256x128xf32, #tpu.memory_space<vmem>> -> memref<128x128xf32, #tpu.memory_space<vmem>>
        tpu.wait_dma2 semaphore(%run_scoped3A : memref<!tpu.dma_semaphore, #tpu.memory_space<semaphore_mem>>) src(%dma_wait3A_114 : memref<128x128xf32, #tpu.memory_space<vmem>>) dst(%dma_wait3A_111 : memref<128x128xf32, #tpu.memory_space<hbm>>)
        tpu.yield
      }) : () -> ()
    } else {
    }
    %eq3A_69 = arith.constant 31 : i32
    %eq3A_70 = arith.cmpi eq, %add3A, %eq3A_69 : i32
    %convert_element_type3A_71 = arith.extui %eq3A_70 : i1 to i32
    %cond3A_72 = arith.constant 0 : i32
    %cond3A_73 = arith.cmpi ne, %convert_element_type3A_71, %cond3A_72 : i32
    scf.if %cond3A_73 {
      "tpu.region"() ({
        %run_scoped3A = tpu.sem_alloc : memref<!tpu.dma_semaphore, #tpu.memory_space<semaphore_mem>>
        %dma_start3A_90 = arith.constant 0 : i32
        %dma_start3A_91 = tpu.memref_slice %arg6[%dma_start3A_90] : memref<3200xi32, #tpu.memory_space<vmem>> -> memref<32xi32, #tpu.memory_space<vmem>>
        %dma_start3A_92 = arith.constant 99968 : i32
        %dma_start3A_93 = tpu.memref_slice %arg3[%dma_start3A_92] : memref<100000xi32, #tpu.memory_space<hbm>> -> memref<32xi32, #tpu.memory_space<hbm>>
        %dma_start3A_94 = arith.constant 0 : i32
        %dma_start3A_95 = tpu.memref_slice %arg6[%dma_start3A_94] : memref<3200xi32, #tpu.memory_space<vmem>> -> memref<32xi32, #tpu.memory_space<vmem>>
        %dma_start3A_96 = arith.constant 99968 : i32
        %dma_start3A_97 = tpu.memref_slice %arg3[%dma_start3A_96] : memref<100000xi32, #tpu.memory_space<hbm>> -> memref<32xi32, #tpu.memory_space<hbm>>
        tpu.enqueue_dma source(%dma_start3A_97 : memref<32xi32, #tpu.memory_space<hbm>>) target(%dma_start3A_95 : memref<32xi32, #tpu.memory_space<vmem>>) target_semaphore(%run_scoped3A : memref<!tpu.dma_semaphore, #tpu.memory_space<semaphore_mem>>)
        %dma_wait3A_98 = arith.constant 0 : i32
        %dma_wait3A_99 = tpu.memref_slice %arg6[%dma_wait3A_98] : memref<3200xi32, #tpu.memory_space<vmem>> -> memref<32xi32, #tpu.memory_space<vmem>>
        %dma_wait3A_100 = arith.constant 99968 : i32
        %dma_wait3A_101 = tpu.memref_slice %arg3[%dma_wait3A_100] : memref<100000xi32, #tpu.memory_space<hbm>> -> memref<32xi32, #tpu.memory_space<hbm>>
        %dma_wait3A_102 = arith.constant 0 : i32
        %dma_wait3A_103 = tpu.memref_slice %arg6[%dma_wait3A_102] : memref<3200xi32, #tpu.memory_space<vmem>> -> memref<32xi32, #tpu.memory_space<vmem>>
        %dma_wait3A_104 = arith.constant 99968 : i32
        %dma_wait3A_105 = tpu.memref_slice %arg3[%dma_wait3A_104] : memref<100000xi32, #tpu.memory_space<hbm>> -> memref<32xi32, #tpu.memory_space<hbm>>
        tpu.wait_dma2 semaphore(%run_scoped3A : memref<!tpu.dma_semaphore, #tpu.memory_space<semaphore_mem>>) src(%dma_wait3A_105 : memref<32xi32, #tpu.memory_space<hbm>>) dst(%dma_wait3A_103 : memref<32xi32, #tpu.memory_space<vmem>>)
        tpu.yield
      }) : () -> ()
      %dma_start3A_74 = arith.constant 0 : i32
      %dma_start3A_75 = arith.constant 0 : i32
      %dma_start3A_76 = tpu.memref_slice %arg8[%dma_start3A_74, %dma_start3A_75] : memref<256x128xf32, #tpu.memory_space<vmem>> -> memref<32x128xf32, #tpu.memory_space<vmem>>
      %dma_start3A_77 = arith.constant 0 : i32
      %dma_start3A_78 = tpu.memref_slice %arg6[%dma_start3A_77] : memref<3200xi32, #tpu.memory_space<vmem>> -> memref<32xi32, #tpu.memory_space<vmem>>
      %dma_start3A_79 = arith.constant 0 : i32
      %dma_start3A_80 = arith.constant 0 : i32
      %dma_start3A_81 = tpu.memref_slice %arg5[%dma_start3A_79, %dma_start3A_80] : memref<120x128xf32, #tpu.memory_space<vmem_shared>> -> memref<120x128xf32, #tpu.memory_space<vmem_shared>>
      tpu.enqueue_indirect_dma source(%dma_start3A_81 : memref<120x128xf32, #tpu.memory_space<vmem_shared>>) target(%dma_start3A_76 : memref<32x128xf32, #tpu.memory_space<vmem>>) offsets(%dma_start3A_78 : memref<32xi32, #tpu.memory_space<vmem>>) semaphore(%arg10 : memref<!tpu.dma_semaphore, #tpu.memory_space<semaphore_mem>>)
      %dma_wait3A_82 = arith.constant 0 : i32
      %dma_wait3A_83 = arith.constant 0 : i32
      %dma_wait3A_84 = tpu.memref_slice %arg8[%dma_wait3A_82, %dma_wait3A_83] : memref<256x128xf32, #tpu.memory_space<vmem>> -> memref<32x128xf32, #tpu.memory_space<vmem>>
      %dma_wait3A_85 = arith.constant 0 : i32
      %dma_wait3A_86 = tpu.memref_slice %arg6[%dma_wait3A_85] : memref<3200xi32, #tpu.memory_space<vmem>> -> memref<32xi32, #tpu.memory_space<vmem>>
      %dma_wait3A_87 = arith.constant 0 : i32
      %dma_wait3A_88 = arith.constant 0 : i32
      %dma_wait3A_89 = tpu.memref_slice %arg5[%dma_wait3A_87, %dma_wait3A_88] : memref<120x128xf32, #tpu.memory_space<vmem_shared>> -> memref<120x128xf32, #tpu.memory_space<vmem_shared>>
      tpu.wait_indirect_dma semaphore(%arg10 : memref<!tpu.dma_semaphore, #tpu.memory_space<semaphore_mem>>) src(%dma_wait3A_89 : memref<120x128xf32, #tpu.memory_space<vmem_shared>>) dst(%dma_wait3A_84 : memref<32x128xf32, #tpu.memory_space<vmem>>)
      "tpu.region"() ({
        %run_scoped3A = tpu.sem_alloc : memref<!tpu.dma_semaphore, #tpu.memory_space<semaphore_mem>>
        %dma_start3A_90 = arith.constant 0 : i32
        %dma_start3A_91 = arith.constant 0 : i32
        %dma_start3A_92 = tpu.memref_slice %arg8[%dma_start3A_90, %dma_start3A_91] : memref<256x128xf32, #tpu.memory_space<vmem>> -> memref<32x128xf32, #tpu.memory_space<vmem>>
        %dma_start3A_93 = arith.constant 99968 : i32
        %dma_start3A_94 = arith.constant 0 : i32
        %dma_start3A_95 = tpu.memref_slice %arg4[%dma_start3A_93, %dma_start3A_94] : memref<100000x128xf32, #tpu.memory_space<hbm>> -> memref<32x128xf32, #tpu.memory_space<hbm>>
        %dma_start3A_96 = arith.constant 99968 : i32
        %dma_start3A_97 = arith.constant 0 : i32
        %dma_start3A_98 = tpu.memref_slice %arg4[%dma_start3A_96, %dma_start3A_97] : memref<100000x128xf32, #tpu.memory_space<hbm>> -> memref<32x128xf32, #tpu.memory_space<hbm>>
        %dma_start3A_99 = arith.constant 0 : i32
        %dma_start3A_100 = arith.constant 0 : i32
        %dma_start3A_101 = tpu.memref_slice %arg8[%dma_start3A_99, %dma_start3A_100] : memref<256x128xf32, #tpu.memory_space<vmem>> -> memref<32x128xf32, #tpu.memory_space<vmem>>
        tpu.enqueue_dma source(%dma_start3A_101 : memref<32x128xf32, #tpu.memory_space<vmem>>) target(%dma_start3A_98 : memref<32x128xf32, #tpu.memory_space<hbm>>) target_semaphore(%run_scoped3A : memref<!tpu.dma_semaphore, #tpu.memory_space<semaphore_mem>>)
        %dma_wait3A_102 = arith.constant 0 : i32
        %dma_wait3A_103 = arith.constant 0 : i32
        %dma_wait3A_104 = tpu.memref_slice %arg8[%dma_wait3A_102, %dma_wait3A_103] : memref<256x128xf32, #tpu.memory_space<vmem>> -> memref<32x128xf32, #tpu.memory_space<vmem>>
        %dma_wait3A_105 = arith.constant 99968 : i32
        %dma_wait3A_106 = arith.constant 0 : i32
        %dma_wait3A_107 = tpu.memref_slice %arg4[%dma_wait3A_105, %dma_wait3A_106] : memref<100000x128xf32, #tpu.memory_space<hbm>> -> memref<32x128xf32, #tpu.memory_space<hbm>>
        %dma_wait3A_108 = arith.constant 99968 : i32
        %dma_wait3A_109 = arith.constant 0 : i32
        %dma_wait3A_110 = tpu.memref_slice %arg4[%dma_wait3A_108, %dma_wait3A_109] : memref<100000x128xf32, #tpu.memory_space<hbm>> -> memref<32x128xf32, #tpu.memory_space<hbm>>
        %dma_wait3A_111 = arith.constant 0 : i32
        %dma_wait3A_112 = arith.constant 0 : i32
        %dma_wait3A_113 = tpu.memref_slice %arg8[%dma_wait3A_111, %dma_wait3A_112] : memref<256x128xf32, #tpu.memory_space<vmem>> -> memref<32x128xf32, #tpu.memory_space<vmem>>
        tpu.wait_dma2 semaphore(%run_scoped3A : memref<!tpu.dma_semaphore, #tpu.memory_space<semaphore_mem>>) src(%dma_wait3A_113 : memref<32x128xf32, #tpu.memory_space<vmem>>) dst(%dma_wait3A_110 : memref<32x128xf32, #tpu.memory_space<hbm>>)
        tpu.yield
      }) : () -> ()
    } else {
    }
    return
  }
}

</mosaic_0001>

<sc_bundles>
// kernel: kernel.3.cloned.1.call-start
scs
__scs_entry_jumppad:
0x0: {  	(pc) =	sbr.rel $0x88, $3  }
0x1: {  	(tag) =	ssettag $0x0;
	lr =	simm.s32 $0x1  }
0x2: {  	[smem:$0x3F9F] =	sst lr;
	_ =	strace $0xD0000000  }
0x3: {  	_ = 	snop  }
0x4: {  	_ = 	snop  }
0x5: {  	_ = 	snop  }
0x6: {  	_ = 	snop  }
0x7: {  	_ = 	snop  }
__scs_overlays_trampoline_lowered:
0x8: {  	[smem:$0x3FAE] =	sst s0  }
0x9: {  	[smem:$0x3FAF] =	sst s1  }
0xa: {  	[smem:$0x3FB0] =	sst s2  }
0xb: {  	[smem:$0x3FB1] =	sst s3  }
0xc: {  	[smem:$0x3FB2] =	sst s4  }
0xd: {  	[smem:$0x3FB3] =	sst s5  }
0xe: {  	[smem:$0x3FB4] =	sst s6  }
0xf: {  	[smem:$0x3FB5] =	sst s7  }
0x10: {  	[smem:$0x3FB6] =	sst s8  }
0x11: {  	[smem:$0x3FB7] =	sst s9;
	s0 =	simm.s32 @!p0 $0x0  }
0x12: {  	s1 =	sld [smem:$0x3F9D];
	s0 =	simm.s32 @p0 $0x1  }
0x13: {  	[smem:$0x3FB8] =	sst s0;
	s0 =	simm.s32 @!p1 $0x0  }
0x14: {  	s2 =	sld [smem:$0x3F9C];
	s0 =	simm.s32 @p1 $0x1  }
0x15: {  	[smem:$0x3FB9] =	sst s0;
	s0 =	simm.s32 @!p2 $0x0  }
0x16: {  	s3 =	sld [smem:$0x3FDB];
	s0 =	simm.s32 @p2 $0x1  }
0x17: {  	s4 =	simm.s32 $0x1BF5;
	[smem:$0x3FBB] =	sst s0  }
0x18: {  	s0 =	sld [smem:$0x3F9E];
	_ =	swait.ge [sflag:s4], $0x0  }
0x19: {  	s7 =	sld [smem:$0x3F9F]  }
0x1a: {  	s8 =	sadd.s32 $0xFFFFE003, lr  }
0x1b: {  	s9 =	sadd.s32 $0xFFFFFEF7, lr;
	s5 =	simm.s32 $0xFFFFFFFF;
	p2 =	slt.u32 s8, $0xFFFFF086  }
0x1c: {  	p1 =	slt.u32 s9, $0xF7A;
	s5 =	simm.s32 @!p2 $0x0  }
0x1d: {  	s5 =	simm.s32 @p1 $0x1;
	p0 =	seq.s32 s7, s2  }
0x1e: {  	s7 =	smul.u32 @!p0 $0xF7A, s2;
	p2 =	seq.s32 @!p0 s5, $0x0  }
0x1f: {  	s9 =	smul.u32 $0xF7A, s1;
	s8 =	simm.s32 @!p0 $0x1BF5;
	p2 =	por !p2, p0  }
0x20: {  	[sflag:s8] =	ssyncset.s32 @!p0 $0xFFFFF086;
	s6 =	sadd.s32 @!p0 s3, s7;
	s7 =	simm.s32 @!p0 $0x108  }
0x21: {  	s3 =	sadd.s32 s3, s9;
	s6 =	sadd.s32 @!p0 $0x88, s6;
	s7 =	simm.s32 @p2 $0x1082  }
0x22: {  	[simem:s7], [sflag:s8] =	dma.local @!p0 [hbm:s6], $0xF7A  }
0x23: {  	s9 =	sor.u32 $0xD0000000, s2;
	s6 =	simm.s32 $0x108;
	_ =	swait.ge @!p0 [sflag:s8], $0x0  }
0x24: {  	s3 =	sadd.s32 $0x88, s3;
	s6 =	simm.s32 @!p1 $0x1082;
	[sflag:s4] =	ssyncset.s32 $0xFFFFF086  }
0x25: {  	[simem:s6], [sflag:s4] =	dma.local [hbm:s3], $0xF7A  }
0x26: {  	[smem:$0x3F9F] =	sst s1;
	(tag) =	ssettag s2;
	_ =	strace s9  }
0x27: {  	s1 =	sld [smem:$0x3FAF]  }
0x28: {  	s2 =	sld [smem:$0x3FB0]  }
0x29: {  	s4 =	sld [smem:$0x3FB2]  }
0x2a: {  	p0 =	seq.s32 s5, $0x0;
	s5 =	sld [smem:$0x3FB3]  }
0x2b: {  	s6 =	sld [smem:$0x3FB4]  }
0x2c: {  	s7 =	sld [smem:$0x3FB5]  }
0x2d: {  	s3 =	simm.s32 $0x108;
	s8 =	sld [smem:$0x3FB6]  }
0x2e: {  	s3 =	simm.s32 @!p0 $0x1082;
	s9 =	sld [smem:$0x3FB7]  }
0x2f: {  	lr =	sadd.s32 s0, s3;
	s0 =	sld [smem:$0x3FAE]  }
0x30: {  	s3 =	sld [smem:$0x3FB1]  }
0x31: {  	[smem:$0x3FBA] =	sst s10  }
0x32: {  	s10 =	sld [smem:$0x3FB8];
	_ =	sdelay $0x3  }
0x33: {  	p0 =	seq.s32 s10, $0x1;
	s10 =	sld [smem:$0x3FBA];
	_ =	sdelay $0x3  }
0x34: {  	[smem:$0x3FBA] =	sst s10  }
0x35: {  	s10 =	sld [smem:$0x3FB9];
	_ =	sdelay $0x3  }
0x36: {  	p1 =	seq.s32 s10, $0x1;
	s10 =	sld [smem:$0x3FBA];
	_ =	sdelay $0x3  }
0x37: {  	[smem:$0x3FBA] =	sst s10  }
0x38: {  	s10 =	sld [smem:$0x3FBB]  }
0x39: {  	_ = 	snop;
	(pc) =	sbr.ind lr, $3  }
0x3a: {  	_ = 	snop  }
0x3b: {  	_ = 	snop  }
0x3c: {  	p2 =	seq.s32 s10, $0x1;
	s10 =	sld [smem:$0x3FBA]  }
0x3d: {  	_ =	shalt  }
0x3e: {  	_ =	shalt  }
0x3f: {  	_ =	shalt  }
0x40: {  	_ =	shalt  }
0x41: {  	_ =	shalt  }
0x42: {  	_ =	shalt  }
0x43: {  	_ =	shalt  }
0x44: {  	_ =	shalt  }
0x45: {  	_ =	shalt  }
0x46: {  	_ =	shalt  }
0x47: {  	_ =	shalt  }
0x48: {  	_ =	shalt  }
0x49: {  	_ =	shalt  }
0x4a: {  	_ =	shalt  }
0x4b: {  	_ =	shalt  }
0x4c: {  	_ =	shalt  }
0x4d: {  	_ =	shalt  }
0x4e: {  	_ =	shalt  }
0x4f: {  	_ =	shalt  }
0x50: {  	_ =	shalt  }
0x51: {  	_ =	shalt  }
0x52: {  	_ =	shalt  }
0x53: {  	_ =	shalt  }
0x54: {  	_ =	shalt  }
0x55: {  	_ =	shalt  }
0x56: {  	_ =	shalt  }
0x57: {  	_ =	shalt  }
0x58: {  	_ =	shalt  }
0x59: {  	_ =	shalt  }
0x5a: {  	_ =	shalt  }
0x5b: {  	_ =	shalt  }
0x5c: {  	_ =	shalt  }
0x5d: {  	_ =	shalt  }
0x5e: {  	_ =	shalt  }
0x5f: {  	_ =	shalt  }
0x60: {  	_ =	shalt  }
0x61: {  	_ =	shalt  }
0x62: {  	_ =	shalt  }
0x63: {  	_ =	shalt  }
0x64: {  	_ =	shalt  }
0x65: {  	_ =	shalt  }
0x66: {  	_ =	shalt  }
0x67: {  	_ =	shalt  }
0x68: {  	_ =	shalt  }
0x69: {  	_ =	shalt  }
0x6a: {  	_ =	shalt  }
0x6b: {  	_ =	shalt  }
0x6c: {  	_ =	shalt  }
0x6d: {  	_ =	shalt  }
0x6e: {  	_ =	shalt  }
0x6f: {  	_ =	shalt  }
0x70: {  	_ =	shalt  }
0x71: {  	_ =	shalt  }
0x72: {  	_ =	shalt  }
0x73: {  	_ =	shalt  }
0x74: {  	_ =	shalt  }
0x75: {  	_ =	shalt  }
0x76: {  	_ =	shalt  }
0x77: {  	_ =	shalt  }
0x78: {  	_ =	shalt  }
0x79: {  	_ =	shalt  }
0x7a: {  	_ =	shalt  }
0x7b: {  	_ =	shalt  }
0x7c: {  	_ =	shalt  }
0x7d: {  	_ =	shalt  }
0x7e: {  	_ =	shalt  }
0x7f: {  	_ =	shalt  }
0x80: {  	_ =	shalt  }
0x81: {  	_ =	shalt  }
0x82: {  	_ =	shalt  }
0x83: {  	_ =	shalt  }
0x84: {  	_ =	shalt  }
0x85: {  	_ =	shalt  }
0x86: {  	_ =	shalt  }
0x87: {  	_ =	shalt  }
.Lfunc_end0:
.L_simem_size_0:
called_computation_lowered:
.L_overlay_start_0:
0x88: {  	s2 =	sld [smem:$0x3FD9]  }
0x89: {  	s3 =	sld [smem:$0x3FFE];
	_ =	sdelay $0x1  }
0x8a: {  	s1 =	srdreg.scid  }
0x8b: {  	s0 =	sand.u32 $0x1, s1  }
0x8c: {  	s18 =	sshll.u32 s0, $0xA;
	s2 =	sadd.s32 s3, s2  }
0x8d: {  	s2 =	sadd.s32 s2, s18  }
0x8e: {  	[smem:$0x3FC6] =	sst s2  }
0x8f: {  	_ = 	snop  }
0x90: {  	s2 =	sld [smem:$0x3FC9]  }
0x91: {  	s19 =	sld [smem:$0x3FC8]  }
0x92: {  	s4 =	sld [smem:$0x3FD0];
	(tm) =	ssettm $0x1  }
0x93: {  	s5 =	sld [smem:$0x3FFB];
	_ =	sdelay $0x3  }
0x94: {  	_ =	strace s5  }
0x95: {  	s5 =	sld [smem:$0x3FFC];
	_ =	sdelay $0x3  }
0x96: {  	_ =	strace s5  }
0x97: {  	s5 =	sld [smem:$0x3FFD];
	_ =	sdelay $0x3  }
0x98: {  	_ =	strace s5  }
0x99: {  	_ =	strace $0x8FFFFFFF  }
0x9a: {  	s20 =	sld [smem:$0x3FDB];
	_ =	sdelay $0x1  }
0x9b: {  	s6 =	simm.s32 $_scs_section_size  }
0x9c: {  	s7 =	simm.s32 $_size__tile_overlayer_lowered;
	s8 =	simm.s32 $_tile_overlayer_lowered  }
0x9d: {  	s23 =	simm.s32 $0x1BFF;
	s22 =	sshll.u32 s8, $0x1;
	s5 =	sadd.s32 s6, s20  }
0x9e: {  	s9 =	simm.s32 $0x0;
	s21 =	sshll.u32 s7, $0x1;
	s7 =	sadd.s32 s22, s5  }
0x9f: {  	[timem:s9], [sflag:s23] =	dma.local [hbm:s7], s21  }
0xa0: {  	_ =	swait.ge [sflag:s23], s21  }
0xa1: {  	s6 =	ssub.s32 $0x0, s21;
	[sflag:s23] =	ssyncset.done $0x0  }
0xa2: {  	[sflag:s23] =	ssyncadd.s32 s6;
	_ =	sdelay $0x1  }
0xa3: {  	s24 =	simm.s32 $0x1B8B  }
0xa4: {  	_ =	swait.ge [sflag:s24], $0x1  }
0xa5: {  	[sflag:s24] =	ssyncset.done $0x0  }
0xa6: {  	s25 =	simm.s32 $0x1B8E;
	[sflag:s24] =	ssyncadd.s32 $0xFFFFFFFF  }
0xa7: {  	s26 =	simm.s32 $execute0_lowered;
	[smem:$0x3FD2] =	sst s25  }
0xa8: {  	s6 =	sshll.u32 s26, $0x1;
	_ =	strace $0x80000046;
	[dreg:$0x1] =	wrdreg $0xFFFFFFFF  }
0xa9: {  	s28 =	simm.s32 $_size_execute0_lowered;
	s5 =	sadd.s32 s5, s6;
	[dreg:$0x0] =	wrdreg $0x0  }
0xaa: {  	s6 =	sshll.u32 s28, $0x1;
	[dreg:$0x2] =	wrdreg s5  }
0xab: {  	[dreg:$0x3] =	wrdreg s6  }
0xac: {  	[dreg:$0x4] =	wrdreg $0xC0  }
0xad: {  	_ =	task [dreg:s9], $0x5FFFF  }
0xae: {  	[dreg:$0x1] =	wrdreg $0xFFFFFFFF  }
0xaf: {  	[dreg:$0x0] =	wrdreg $0x60  }
0xb0: {  	[dreg:$0x2] =	wrdreg s19  }
0xb1: {  	[dreg:$0x3] =	wrdreg s2  }
0xb2: {  	[dreg:$0x4] =	wrdreg s4  }
0xb3: {  	[dreg:$0x5] =	wrdreg $0x0  }
0xb4: {  	[dreg:$0x6] =	wrdreg $0x9  }
0xb5: {  	_ =	task.clear_ibuf [dreg:s9], $0x7FFFF;
	_ =	strace $0x90000046  }
0xb6: {  	s29 =	simm.s32 $0x9;
	_ =	strace $0x80000048  }
0xb7: {  	_ =	swait.ge [sflag:s29], $0x1  }
0xb8: {  	[sflag:s29] =	ssyncadd.s32 $0xFFFFFFFF  }
0xb9: {  	_ =	strace $0x90000048  }
0xba: {  	_ =	sfence  }
0xbb: {  	s30 =	sld [smem:$0x0];
	_ =	sdelay $0x2  }
0xbc: {  	s31 =	sshll.u32 s1, $0xD;
	s1 =	sshrl.u32 s1, $0x2  }
0xbd: {  	s3 =	sand.u32 $0x4000, s31;
	s1 =	sadd.s32 s1, s30  }
0xbe: {  	s0 =	sor.u32 s3, s0;
	s1 =	sshll.u32 s1, $0x11  }
0xbf: {  	s0 =	sor.u32 s1, s0  }
0xc0: {  	s0 =	sadd.s32 $0x8F2B, s0  }
0xc1: {  	[sflag:s0] =	ssyncadd.remote.s32 $0x1  }
0xc2: {  	_ =	sfence.sel $0xFFFF  }
0xc3: {  	[dreg:$0x0] =	wrdreg $0xFFFFFFFF;
	(pc) =	sbr.abs _section_cstart, $3  }
0xc4: {  	[dreg:$0x1] =	wrdreg $0xFFFFFFFF  }
0xc5: {  	_ =	task.clear_ibuf [dreg:s9], $0x2FFFF;
	_ =	strace $0x9FFFFFFF  }
0xc6: {  	(tm) =	ssettm $0x7FFFFFFF  }
0xc7: {  	_ =	shalt  }
tec
execute0_lowered:
.L_overlay_start_1:
0x0: {  	(tag) =	ssettag $0x1  }
0x1: {  	s0 =	rddreg [dreg:$0x1]  }
0x2: {  	s1 =	srdreg.scid;
	s12 =	rddreg [dreg:$0x2]  }
0x3: {  	s14 =	stileid.u32;
	s2 =	rddreg [dreg:$0x3];
	s15 =	simm.s32 $0x3C0  }
0x4: {  	s16 =	simm.s32 $0x80;
	s17 =	simm.s32 $0x1040;
	s19 =	simm.s32 $0x5040  }
0x5: {  	s20 =	simm.s32 $0x4C0;
	s21 =	simm.s32 $0x9040;
	s22 =	simm.s32 $0x540  }
0x6: {  	s28 =	simm.s32 $0x4;
	s29 =	simm.s32 $0x0;
	s1 =	sand.u32 $0x1, s1  }
0x7: {  	s3 =	sshll.u32 s14, $0x1;
	s11 =	smul.u32 $0x30, s14;
	p0 =	sne.s32 s14, $0x0  }
0x8: {  	s24 =	sor.u32 s1, s3;
	s5 =	ssub.s32 $0x2, s1;
	s1 =	smul.u32 $0x18, s1  }
0x9: {  	s3 =	simm.s32 $0x0;
	s14 =	sshrl.u32 @!p0 s2, $0x3;
	s4 =	smul.u32 $0x18, s24  }
0xa: {  	[smem:$0x7FF] =	sst s3;
	s10 =	smin.u32 s24, $0xD;
	s6 =	sshrl.u32 s5, $0x1  }
0xb: {  	p1 =	sgt.u32 s24, $0xC;
	_ =	strace $0x80000047;
	s9 =	ssub.s32 s5, s6  }
0xc: {  	s6 =	sadd.s32 $0x30D0, s0;
	s25 =	sadd.s32 s1, s11;
	p2 =	sne.s32 @p1 s24, $0x1F  }
0xd: {  	s24 =	simm.s32 $0x1;
	s7 =	sadd.s32 s10, s4;
	s9 =	smax.u32 s9, $0x1  }
0xe: {  	p2 =	por p2, !p1;
	s4 =	sshll.u32 s7, $0x4;
	s13 =	sshll.u32 s7, $0xB  }
0xf: {  	s7 =	sadd.s32 $0x186800, s12;
	s4 =	sadd.s32 s0, s4;
	s23 =	sadd.s32 s13, s12  }
0x10: {  	s26 =	sadd.s32 $0xA000, s13;
	s0 =	sadd.s32 s10, s25;
	s30 =	sadd.s32 $0xB000, s13  }
0x11: {  	s25 =	simm.s32 $0x3;
	s5 =	sadd.s32 $0x180, s4;
	s8 =	sadd.s32 $0xC000, s23  }
0x12: {  	s1 =	sand.u32 $0x1FFFF800, s26;
	s0 =	sshll.u32 s0, $0xB;
	s31 =	sand.u32 $0x1FFFF800, s30  }
0x13: {  	s23 =	simm.s32 $0xD040;
	s26 =	simm.s32 $0x2;
	s11 =	sadd.s32 s0, s12  }
0x14: {  	s10 =	sadd.s32 s12, s1;
	s12 =	sadd.s32 s12, s31;
	s13 =	sadd.s32 $0x1000, s11  }
.LBB2_1:
0x15: {  	s0 =	simm.s32 @!p0 $0x1C05;
	s1 =	rddreg [dreg:$0x0]  }
0x16: {  	[spmem:s14], [sflag:s0] =	dma.local @!p0 [hbm:s1], $0x780  }
0x17: {  	s0 =	simm.s32 @!p0 $0x5  }
0x18: {  	_ =	swait.ge @!p0 [sflag:s0], $0x780  }
0x19: {  	[sflag:s0] =	ssyncset.done @!p0 $0x0  }
0x1a: {  	[sflag:s0] =	ssyncadd.s32 @!p0 $0xFFFFF880  }
0x1b: {  	[tilespmem:s15], [sflag:$0x3] =	stream.linear.gather [hbm4b:s4+s3], $0xC00, $0x38;
	[tilespmem:$0x11040] =	vst v63  }
0x1c: {  	s0 =	simm.s32 @p1 $0x3;
	[bflag:$0x0] =	sbarrier.arrive @p1 $0xFFFF  }
0x1d: {  	_ =	swait.ge @p1 [sflag:s0], $0xC00  }
0x1e: {  	[sflag:s0] =	ssyncset.done @p1 $0x0  }
0x1f: {  	s1 =	simm.s32 @!p1 $0xFC0;
	[sflag:s0] =	ssyncadd.s32 @p1 $0xFFFFF400;
	s0 =	simm.s32 @!p1 $0x0  }
0x20: {  	[tilespmem:s1], [sflag:$0x3] =	stream.linear.gather @!p1 [hbm4b:s5+s0], $0x80, $0x38;
	[tilespmem:$0x11040] =	vst v63  }
0x21: {  	s0 =	simm.s32 @!p1 $0x3;
	[bflag:$0x0] =	sbarrier.arrive @!p1 $0xFFFF  }
0x22: {  	_ =	swait.ge @!p1 [sflag:s0], $0xC00  }
0x23: {  	[sflag:s0] =	ssyncset.done @!p1 $0x0  }
0x24: {  	[sflag:s0] =	ssyncadd.s32 @!p1 $0xFFFFF400  }
0x25: {  	_ =	swait.ge @!p1 [sflag:s0], $0x80  }
0x26: {  	[sflag:s0] =	ssyncset.done @!p1 $0x0  }
0x27: {  	[sflag:s0] =	ssyncadd.s32 @!p1 $0xFFFFFF80  }
0x28: {  	[tilespmem:s17], [sflag:$0x1] =	stream.indirect.gather [spmem:s2], $0x80, s15, s16, $0xb8;
	[tilespmem:$0x11040] =	vst v63  }
0x29: {  	s1 =	simm.s32 $0x440  }
0x2a: {  	[tilespmem:s19], [sflag:$0x1] =	stream.indirect.gather [spmem:s2], $0x80, s1, s16, $0xb8;
	[tilespmem:$0x11040] =	vst v63  }
0x2b: {  	_ = 	snop  }
0x2c: {  	[tilespmem:s21], [sflag:$0x2] =	stream.indirect.gather [spmem:s2], $0x80, s20, s16, $0xb8;
	[tilespmem:$0x11040] =	vst v63  }
0x2d: {  	_ = 	snop  }
0x2e: {  	[tilespmem:s23], [sflag:$0x2] =	stream.indirect.gather [spmem:s2], $0x80, s22, s16, $0xb8;
	[tilespmem:$0x11040] =	vst v63  }
0x2f: {  	_ =	swait.ge [sflag:s24], $0x4000  }
0x30: {  	[sflag:s24] =	ssyncset.done $0x0  }
0x31: {  	[sflag:s24] =	ssyncadd.s32 $0xFFFFC000  }
0x32: {  	_ =	swait.ge [sflag:s24], $0x4000  }
0x33: {  	[sflag:s24] =	ssyncset.done $0x0  }
0x34: {  	[sflag:s24] =	ssyncadd.s32 $0xFFFFC000  }
0x35: {  	[hbm4b:s11+s3] =	stream.linear.scatter [tilespmem:s17], [sflag:$0x3], $0x8000, $0x38;
	[tilespmem:$0x11040] =	vst v63  }
0x36: {  	_ =	swait.ge [sflag:s25], $0x8000  }
0x37: {  	[sflag:s25] =	ssyncset.done $0x0  }
0x38: {  	s18 =	simm.s32 $0x5C0;
	[sflag:s25] =	ssyncadd.s32 $0xFFFF8000  }
0x39: {  	[tilespmem:s17], [sflag:$0x1] =	stream.indirect.gather [spmem:s2], $0x80, s18, s16, $0xb8;
	[tilespmem:$0x11040] =	vst v63  }
0x3a: {  	s1 =	simm.s32 $0x640  }
0x3b: {  	[tilespmem:s19], [sflag:$0x1] =	stream.indirect.gather [spmem:s2], $0x80, s1, s16, $0xb8;
	[tilespmem:$0x11040] =	vst v63  }
0x3c: {  	_ =	swait.ge [sflag:s26], $0x4000  }
0x3d: {  	[sflag:s26] =	ssyncset.done $0x0  }
0x3e: {  	[sflag:s26] =	ssyncadd.s32 $0xFFFFC000  }
0x3f: {  	_ =	swait.ge [sflag:s26], $0x4000  }
0x40: {  	[sflag:s26] =	ssyncset.done $0x0  }
0x41: {  	[sflag:s26] =	ssyncadd.s32 $0xFFFFC000  }
0x42: {  	[hbm4b:s13+s3] =	stream.linear.scatter [tilespmem:s21], [sflag:$0x4], $0x8000, $0x38;
	[tilespmem:$0x11040] =	vst v63  }
0x43: {  	s30 =	simm.s32 $0x800;
	_ =	swait.ge [sflag:s28], $0x8000  }
0x44: {  	s31 =	sadd.s32 $0x2000, s13;
	s0 =	simm.s32 $0x740;
	[sflag:s28] =	ssyncset.done $0x0  }
0x45: {  	s18 =	simm.s32 $0x6C0;
	s1 =	sadd.s32 $0x2000, s11;
	[sflag:s28] =	ssyncadd.s32 $0xFFFF8000  }
0x46: {  	[tilespmem:s21], [sflag:$0x2] =	stream.indirect.gather [spmem:s2], $0x80, s18, s16, $0xb8;
	[tilespmem:$0x11040] =	vst v63  }
.LBB2_2:
0x47: {  	[tilespmem:s23], [sflag:$0x2] =	stream.indirect.gather [spmem:s2], $0x80, s0, s16, $0xb8;
	[tilespmem:$0x11040] =	vst v63  }
0x48: {  	s0 =	smov.u32 s30  }
0x49: {  	p3 =	sne.s32 s30, $0x2000;
	s30 =	sadd.s32 $0x800, s30;
	_ =	swait.ge [sflag:s24], $0x4000  }
0x4a: {  	[sflag:s24] =	ssyncset.done $0x0  }
0x4b: {  	[sflag:s24] =	ssyncadd.s32 $0xFFFFC000  }
0x4c: {  	_ =	swait.ge [sflag:s24], $0x4000  }
0x4d: {  	[sflag:s24] =	ssyncset.done $0x0  }
0x4e: {  	[sflag:s24] =	ssyncadd.s32 $0xFFFFC000  }
0x4f: {  	[hbm4b:s1+s3] =	stream.linear.scatter [tilespmem:s17], [sflag:$0x3], $0x8000, $0x38;
	[tilespmem:$0x11040] =	vst v63  }
0x50: {  	_ =	swait.ge [sflag:s25], $0x8000  }
0x51: {  	s0 =	sshra.s32 s0, $0x2;
	[sflag:s25] =	ssyncset.done $0x0  }
0x52: {  	s18 =	sadd.s32 $0x5C0, s0;
	[sflag:s25] =	ssyncadd.s32 $0xFFFF8000  }
0x53: {  	[tilespmem:s17], [sflag:$0x1] =	stream.indirect.gather [spmem:s2], $0x80, s18, s16, $0xb8;
	[tilespmem:$0x11040] =	vst v63  }
0x54: {  	s18 =	sadd.s32 $0x640, s0  }
0x55: {  	[tilespmem:s19], [sflag:$0x1] =	stream.indirect.gather [spmem:s2], $0x80, s18, s16, $0xb8;
	[tilespmem:$0x11040] =	vst v63  }
0x56: {  	_ =	swait.ge [sflag:s26], $0x4000  }
0x57: {  	[sflag:s26] =	ssyncset.done $0x0  }
0x58: {  	[sflag:s26] =	ssyncadd.s32 $0xFFFFC000  }
0x59: {  	_ =	swait.ge [sflag:s26], $0x4000  }
0x5a: {  	[sflag:s26] =	ssyncset.done $0x0  }
0x5b: {  	[sflag:s26] =	ssyncadd.s32 $0xFFFFC000  }
0x5c: {  	[hbm4b:s31+s3] =	stream.linear.scatter [tilespmem:s21], [sflag:$0x4], $0x8000, $0x38;
	[tilespmem:$0x11040] =	vst v63  }
.Ltmp0:
0x5d: {  	_ =	swait.ge [sflag:s28], $0x8000;
	(pc) =	sbr.rel @p3 .LBB2_2-.Ltmp0, $4  }
0x5e: {  	[sflag:s28] =	ssyncset.done $0x0  }
0x5f: {  	s18 =	sadd.s32 $0x6C0, s0;
	[sflag:s28] =	ssyncadd.s32 $0xFFFF8000  }
0x60: {  	[tilespmem:s21], [sflag:$0x2] =	stream.indirect.gather [spmem:s2], $0x80, s18, s16, $0xb8;
	[tilespmem:$0x11040] =	vst v63  }
0x61: {  	s1 =	sadd.s32 $0x2000, s1;
	s0 =	sadd.s32 $0x740, s0;
	s31 =	sadd.s32 $0x2000, s31  }
0x62: {  	[tilespmem:s23], [sflag:$0x2] =	stream.indirect.gather [spmem:s2], $0x80, s0, s16, $0xb8;
	[tilespmem:$0x11040] =	vst v63  }
0x63: {  	_ =	swait.ge [sflag:s24], $0x4000  }
0x64: {  	[sflag:s24] =	ssyncset.done $0x0  }
0x65: {  	[sflag:s24] =	ssyncadd.s32 $0xFFFFC000  }
0x66: {  	_ =	swait.ge [sflag:s24], $0x4000  }
0x67: {  	[sflag:s24] =	ssyncset.done $0x0  }
0x68: {  	[sflag:s24] =	ssyncadd.s32 $0xFFFFC000  }
0x69: {  	[hbm4b:s10+s3] =	stream.linear.scatter [tilespmem:s17], [sflag:$0x3], $0x8000, $0x38;
	[tilespmem:$0x11040] =	vst v63  }
0x6a: {  	_ =	swait.ge [sflag:s25], $0x8000  }
0x6b: {  	[sflag:s25] =	ssyncset.done $0x0  }
0x6c: {  	[sflag:s25] =	ssyncadd.s32 $0xFFFF8000  }
0x6d: {  	_ =	swait.ge [sflag:s26], $0x4000  }
0x6e: {  	[sflag:s26] =	ssyncset.done $0x0  }
0x6f: {  	[sflag:s26] =	ssyncadd.s32 $0xFFFFC000  }
0x70: {  	_ =	swait.ge [sflag:s26], $0x4000  }
0x71: {  	[sflag:s26] =	ssyncset.done $0x0  }
0x72: {  	[sflag:s26] =	ssyncadd.s32 $0xFFFFC000  }
0x73: {  	[hbm4b:s12+s3] =	stream.linear.scatter [tilespmem:s21], [sflag:$0x4], $0x8000, $0x38;
	[tilespmem:$0x11040] =	vst v63  }
0x74: {  	_ =	swait.ge [sflag:s28], $0x8000  }
0x75: {  	s0 =	simm.s32 @!p2 $0x0;
	[sflag:s28] =	ssyncset.done $0x0  }
0x76: {  	s1 =	simm.s32 @!p2 $0x3C0;
	s18 =	simm.s32 @!p2 $0x5;
	[sflag:s28] =	ssyncadd.s32 $0xFFFF8000  }
0x77: {  	[tilespmem:s1], [sflag:$0x5] =	stream.linear.gather @!p2 [hbm4b:s6+s0], $0x20, $0x38;
	[tilespmem:$0x11040] =	vst v63  }
0x78: {  	_ =	swait.ge @!p2 [sflag:s18], $0x20  }
0x79: {  	[sflag:s18] =	ssyncset.done @!p2 $0x0  }
0x7a: {  	s30 =	simm.s32 @!p2 $0x20;
	s31 =	simm.s32 @!p2 $0x9040;
	[sflag:s18] =	ssyncadd.s32 @!p2 $0xFFFFFFE0  }
0x7b: {  	[tilespmem:s31], [sflag:$0x2] =	stream.indirect.gather @!p2 [spmem:s2], $0x80, s1, s30, $0xb8;
	[tilespmem:$0x11040] =	vst v63  }
0x7c: {  	s1 =	simm.s32 @!p2 $0x2  }
0x7d: {  	_ =	swait.ge @!p2 [sflag:s1], $0x1000  }
0x7e: {  	[sflag:s1] =	ssyncset.done @!p2 $0x0  }
0x7f: {  	[sflag:s1] =	ssyncadd.s32 @!p2 $0xFFFFF000  }
0x80: {  	[hbm4b:s7+s0] =	stream.linear.scatter @!p2 [tilespmem:s31], [sflag:$0x5], $0x1000, $0x38;
	[tilespmem:$0x11040] =	vst v63  }
0x81: {  	_ =	swait.ge @!p2 [sflag:s18], $0x1000  }
0x82: {  	s1 =	simm.s32 @!p1 $0xFC0;
	[sflag:s18] =	ssyncset.done @!p2 $0x0  }
0x83: {  	s0 =	simm.s32 @!p1 $0x80;
	[sflag:s18] =	ssyncadd.s32 @!p2 $0xFFFFF000;
	s18 =	simm.s32 @!p1 $0x1040  }
0x84: {  	[tilespmem:s18], [sflag:$0x1] =	stream.indirect.gather @!p1 [spmem:s2], $0x80, s1, s0, $0xb8;
	[tilespmem:$0x11040] =	vst v63  }
0x85: {  	s0 =	simm.s32 @!p1 $0x1  }
0x86: {  	_ =	swait.ge @!p1 [sflag:s0], $0x4000  }
0x87: {  	s29 =	sadd.s32 $0x1, s29;
	[sflag:s0] =	ssyncset.done @!p1 $0x0  }
0x88: {  	p3 =	sne.s32 s29, s9;
	[sflag:s0] =	ssyncadd.s32 @!p1 $0xFFFFC000;
	s0 =	simm.s32 @!p1 $0x0  }
0x89: {  	[hbm4b:s8+s0] =	stream.linear.scatter @!p1 [tilespmem:s18], [sflag:$0x5], $0x4000, $0x38;
	[tilespmem:$0x11040] =	vst v63  }
.Ltmp1:
0x8a: {  	_ = 	snop;
	(pc) =	sbr.rel @p3 .LBB2_1-.Ltmp1, $4  }
0x8b: {  	s0 =	simm.s32 @!p1 $0x5  }
0x8c: {  	_ =	swait.ge @!p1 [sflag:s0], $0x4000  }
0x8d: {  	[sflag:s0] =	ssyncset.done @!p1 $0x0  }
0x8e: {  	[sflag:s0] =	ssyncadd.s32 @!p1 $0xFFFFC000  }
0x8f: {  	_ =	sfence.sel $0x180000  }
0x90: {  	[bflag:$0x0] =	sbarrier.arrive $0xFFFF  }
0x91: {  	_ =	strace $0x90000047  }
0x92: {  	[bflag:$0x2] =	sbarrier.arrive $0xFFFF  }
0x93: {  	s0 =	rddreg [dreg:$0x4]  }
0x94: {  	s0 =	sadd.s32 @!p0 $0x100000, s0  }
0x95: {  	[sflag:s0] =	ssyncadd.tile.s32 @!p0 $0x1;
	_ =	shalt  }
.Lfunc_end2:
_tile_overlayer_lowered:
.L_overlay_start_2:
0x96: {  	(tag) =	ssettag $0x2  }
0x97: {  	s0 =	rddreg [dreg:$0x0];
	s2 =	stileid.u32  }
0x98: {  	s1 =	rddreg [dreg:$0x1];
	p0 =	sne.s32 s2, $0x0  }
0x99: {  	s3 =	rddreg [dreg:$0x2];
	[bflag:$0x3] =	sbarrier.arrive $0xFFFF;
	s2 =	simm.s32 @!p0 $0x1C05  }
0x9a: {  	[timem:s3], [sflag:s2] =	dma.local @!p0 [hbm:s0], s1  }
0x9b: {  	s0 =	simm.s32 @!p0 $0x5  }
0x9c: {  	_ =	swait.ge @!p0 [sflag:s0], s1  }
0x9d: {  	s1 =	ssub.s32 @!p0 $0x0, s1;
	[sflag:s0] =	ssyncset.done @!p0 $0x0  }
0x9e: {  	[sflag:s0] =	ssyncadd.s32 @!p0 s1  }
0x9f: {  	[bflag:$0x3] =	sbarrier.arrive $0xFFFF  }
0xa0: {  	_ =	shalt  }

</sc_bundles>
